<compile_context>
chip_gen: v7x
topology: tpu7x:2x2x1
jax: 0.10.2.dev20260603
libtpu: 0.0.44.dev20260713+nightly
codegen_flags: <defaults>
</compile_context>

<pallas_src>
import functools

import jax
import jax.numpy as jnp
from jax import lax
from jax.experimental import pallas as pl
from jax.experimental.pallas import tpu as pltpu
from jax.experimental.pallas import tpu_sc as plsc

_ALPHA = 0.5
_B = 4096
_NCLS = 100000
_D = 128
_NC = 2
_NS = 16
_NW = _NC * _NS
_BPW = _B // _NW
_LANES = 16
_IB = 256


_CB = 5000
_NSTEPS = _NCLS // _CB
_NMM = _B // _IB


def _seg_mean_body(tf_col_ref, tf_blk_ref, f_ref, cblk_ref, sm_ref,
                   newc_ref):
    i = pl.program_id(0)
    newc_ref[...] = cblk_ref[...]

    @pl.when(i < _NMM)
    def _mm():
        a = (tf_col_ref[...] == tf_blk_ref[...]).astype(jnp.float32)
        s = lax.dot_general(a, f_ref[...], (((0,), (0,)), ((), ())),
                            preferred_element_type=jnp.float32)
        cnt = jnp.sum(a, axis=0)
        sm_ref[...] = s / cnt[:, None]


def _seg_mean_and_copy(tf_col, tf_row, features, centers):
    mm = lambda i: lax.min(i, _NMM - 1)
    return pl.pallas_call(
        _seg_mean_body,
        grid=(_NSTEPS,),
        in_specs=[
            pl.BlockSpec((_B, 1), lambda i: (0, 0)),
            pl.BlockSpec((1, _IB), lambda i: (0, mm(i))),
            pl.BlockSpec((_B, _D), lambda i: (0, 0)),
            pl.BlockSpec((_CB, _D), lambda i: (i, 0)),
        ],
        out_specs=[
            pl.BlockSpec((_IB, _D), lambda i: (mm(i), 0)),
            pl.BlockSpec((_CB, _D), lambda i: (i, 0)),
        ],
        out_shape=[
            jax.ShapeDtypeStruct((_B, _D), jnp.float32),
            jax.ShapeDtypeStruct((_NCLS, _D), jnp.float32),
        ],
    )(tf_col, tf_row, features, centers)


@functools.lru_cache(maxsize=1)
def _make_sc_update():
    mesh = plsc.VectorSubcoreMesh(core_axis_name="c", subcore_axis_name="s",
                                  num_cores=_NC, num_subcores=_NS)
    return functools.partial(
        pl.kernel,
        out_type=jax.ShapeDtypeStruct((_NW, _LANES), jnp.float32),
        mesh=mesh,
        scratch_types=[
            pltpu.VMEM((_BPW,), jnp.int32),
            pltpu.VMEM((_BPW, _D), jnp.float32),
            pltpu.VMEM((_BPW, _D), jnp.float32),
            pltpu.VMEM((_BPW, _D), jnp.float32),
            pltpu.VMEM((_LANES,), jnp.float32),
            pltpu.SemaphoreType.DMA,
        ],
    )(_sc_update_body)


def _sc_update_body(centers_hbm, targets_hbm, feats_hbm, sm_hbm, newc_ref,
                    loss_out, idx_v, rows_v, feat_v, sm_v, acc_v, sem):
    wid = lax.axis_index("s") * _NC + lax.axis_index("c")
    base = wid * _BPW
    pltpu.sync_copy(targets_hbm.at[pl.ds(base, _BPW)], idx_v)
    gather = pltpu.async_copy(centers_hbm.at[idx_v], rows_v, sem)
    pltpu.sync_copy(feats_hbm.at[pl.ds(base, _BPW)], feat_v)
    pltpu.sync_copy(sm_hbm.at[pl.ds(base, _BPW)], sm_v)
    gather.wait()

    def row_body(r, acc):
        for c in range(_D // _LANES):
            sl = pl.ds(c * _LANES, _LANES)
            g = rows_v[r, sl]
            f = feat_v[r, sl]
            m = sm_v[r, sl]
            d = f - g
            acc = acc + d * d
            sm_v[r, sl] = (1.0 - _ALPHA) * g + _ALPHA * m
        return acc

    acc = lax.fori_loop(0, _BPW, row_body, jnp.zeros((_LANES,), jnp.float32))
    acc_v[...] = acc * (0.5 / _B)
    pltpu.sync_copy(acc_v, loss_out.at[wid])
    pltpu.sync_copy(sm_v, newc_ref.at[idx_v])


def kernel(features, targets, centers):
    tf = targets.astype(jnp.float32)
    sm, newc = _seg_mean_and_copy(tf.reshape(_B, 1), tf.reshape(1, _B),
                                  features, centers)
    newc_ref = jax.new_ref(newc)
    loss_parts = _make_sc_update()(centers, targets, features, sm, newc_ref)
    loss = jnp.sum(loss_parts)
    return loss, newc_ref[...]

# --- scband reference (transcript-rebuilt; emitter-appended) ---
"""Pipeline reference for scband-center-loss-84258668413055 (READ-ONLY COPY).

The authoritative reference and input builder live on the scoring server;
editing this copy changes nothing except your own understanding.
"""

import jax, jax.numpy as jnp
import numpy as np

NUM_CLASSES = 100000
FEATURE_DIM = 128
BATCH = 4096
ALPHA = 0.5


def setup_inputs(seed: int = 0) -> dict:
    key = jax.random.key(seed)
    k1, k2, k3 = jax.random.split(key, 3)
    features = jax.random.normal(k1, (BATCH, FEATURE_DIM), dtype=jnp.float32)
    targets = jax.random.randint(k2, (BATCH,), 0, NUM_CLASSES, dtype=jnp.int32)
    # learned (buffer) parameter: class centers, initialized ~ N(0,1) as in torch.randn
    centers = jax.random.normal(k3, (NUM_CLASSES, FEATURE_DIM), dtype=jnp.float32)
    return {"features": features, "targets": targets, "centers": centers}


def reference(features, targets, centers):
    batch_size = features.shape[0]
    num_classes = centers.shape[0]
    # gather class centers for each sample
    centers_batch = jnp.take(centers, targets, axis=0)
    # center loss
    loss = jnp.sum((features - centers_batch) ** 2) / (2.0 * batch_size)
    # training-mode center update (side effect in torch, returned explicitly here):
    # for each label present: centers[label] -= alpha * mean(diff[mask])
    diff = centers_batch - features
    sum_diff = jax.ops.segment_sum(diff, targets, num_segments=num_classes)
    counts = jnp.bincount(targets, length=num_classes)
    denom = jnp.maximum(counts, 1).astype(features.dtype)
    mean_diff = sum_diff / denom[:, None]  # zero where count == 0 since sum_diff is zero
    new_centers = centers - ALPHA * mean_diff
    return loss, new_centers

if __name__ == "__main__":
    import jax
    _d = setup_inputs()
    print(jax.jit(kernel)(*tuple(_d.values())))

</pallas_src>

<mosaic_0001>
#map = affine_map<(d0, d1) -> (0, 0)>
#map1 = affine_map<(d0, d1) -> (0)>
module attributes {stable_mosaic.version = 14 : i64} {
  func.func @new_body(%arg0: i32, %arg1: i32, %arg2: memref<100000x128xf32, #tpu.memory_space<hbm>>, %arg3: memref<4096xi32, #tpu.memory_space<hbm>>, %arg4: memref<4096x128xf32, #tpu.memory_space<hbm>>, %arg5: memref<4096x128xf32, #tpu.memory_space<hbm>>, %arg6: memref<100000x128xf32, #tpu.memory_space<hbm>>, %arg7: memref<32x16xf32, #tpu.memory_space<hbm>>, %arg8: memref<100000x128xf32, #tpu.memory_space<hbm>>, %arg9: memref<128xi32, #tpu.memory_space<vmem>>, %arg10: memref<128x128xf32, #tpu.memory_space<vmem>>, %arg11: memref<128x128xf32, #tpu.memory_space<vmem>>, %arg12: memref<128x128xf32, #tpu.memory_space<vmem>>, %arg13: memref<16xf32, #tpu.memory_space<vmem>>, %arg14: memref<!tpu.dma_semaphore, #tpu.memory_space<semaphore_mem>>) attributes {dimension_semantics = [#tpu.dimension_semantics<core_parallel>, #tpu.dimension_semantics<subcore_parallel>], iteration_bounds = array<i64: 2, 16>, scalar_prefetch = 0 : i64, scratch_operands = 6 : i64, tpu.core_type = #tpu.core_type<sc_vector_subcore>, window_params = [{transform_indices = #map}, {transform_indices = #map1}, {transform_indices = #map}, {transform_indices = #map}, {transform_indices = #map}, {transform_indices = #map}, {transform_indices = #map}]} {
    %mul3A = arith.constant 2 : i32
    %mul3A_0 = arith.muli %arg1, %mul3A : i32
    %add3A = arith.addi %mul3A_0, %arg0 : i32
    %mul3A_1 = arith.constant 128 : i32
    %mul3A_2 = arith.muli %add3A, %mul3A_1 : i32
    "tpu.region"() ({
      %run_scoped3A = tpu.sem_alloc : memref<!tpu.dma_semaphore, #tpu.memory_space<semaphore_mem>>
      %dma_start3A_19 = tpu.memref_slice %arg3[%mul3A_2] : memref<4096xi32, #tpu.memory_space<hbm>> -> memref<128xi32, #tpu.memory_space<hbm>>
      %dma_start3A_20 = tpu.memref_slice %arg3[%mul3A_2] : memref<4096xi32, #tpu.memory_space<hbm>> -> memref<128xi32, #tpu.memory_space<hbm>>
      tpu.enqueue_dma source(%dma_start3A_20 : memref<128xi32, #tpu.memory_space<hbm>>) target(%arg9 : memref<128xi32, #tpu.memory_space<vmem>>) target_semaphore(%run_scoped3A : memref<!tpu.dma_semaphore, #tpu.memory_space<semaphore_mem>>)
      %dma_wait3A_21 = tpu.memref_slice %arg3[%mul3A_2] : memref<4096xi32, #tpu.memory_space<hbm>> -> memref<128xi32, #tpu.memory_space<hbm>>
      %dma_wait3A_22 = tpu.memref_slice %arg3[%mul3A_2] : memref<4096xi32, #tpu.memory_space<hbm>> -> memref<128xi32, #tpu.memory_space<hbm>>
      tpu.wait_dma2 semaphore(%run_scoped3A : memref<!tpu.dma_semaphore, #tpu.memory_space<semaphore_mem>>) src(%dma_wait3A_22 : memref<128xi32, #tpu.memory_space<hbm>>) dst(%arg9 : memref<128xi32, #tpu.memory_space<vmem>>)
      tpu.yield
    }) : () -> ()
    %dma_start3A = arith.constant 0 : i32
    %dma_start3A_3 = arith.constant 0 : i32
    %dma_start3A_4 = tpu.memref_slice %arg2[%dma_start3A, %dma_start3A_3] : memref<100000x128xf32, #tpu.memory_space<hbm>> -> memref<100000x128xf32, #tpu.memory_space<hbm>>
    tpu.enqueue_indirect_dma source(%dma_start3A_4 : memref<100000x128xf32, #tpu.memory_space<hbm>>) target(%arg10 : memref<128x128xf32, #tpu.memory_space<vmem>>) offsets(%arg9 : memref<128xi32, #tpu.memory_space<vmem>>) semaphore(%arg14 : memref<!tpu.dma_semaphore, #tpu.memory_space<semaphore_mem>>)
    "tpu.region"() ({
      %run_scoped3A = tpu.sem_alloc : memref<!tpu.dma_semaphore, #tpu.memory_space<semaphore_mem>>
      %dma_start3A_19 = arith.constant 0 : i32
      %dma_start3A_20 = tpu.memref_slice %arg4[%mul3A_2, %dma_start3A_19] : memref<4096x128xf32, #tpu.memory_space<hbm>> -> memref<128x128xf32, #tpu.memory_space<hbm>>
      %dma_start3A_21 = arith.constant 0 : i32
      %dma_start3A_22 = tpu.memref_slice %arg4[%mul3A_2, %dma_start3A_21] : memref<4096x128xf32, #tpu.memory_space<hbm>> -> memref<128x128xf32, #tpu.memory_space<hbm>>
      tpu.enqueue_dma source(%dma_start3A_22 : memref<128x128xf32, #tpu.memory_space<hbm>>) target(%arg11 : memref<128x128xf32, #tpu.memory_space<vmem>>) target_semaphore(%run_scoped3A : memref<!tpu.dma_semaphore, #tpu.memory_space<semaphore_mem>>)
      %dma_wait3A_23 = arith.constant 0 : i32
      %dma_wait3A_24 = tpu.memref_slice %arg4[%mul3A_2, %dma_wait3A_23] : memref<4096x128xf32, #tpu.memory_space<hbm>> -> memref<128x128xf32, #tpu.memory_space<hbm>>
      %dma_wait3A_25 = arith.constant 0 : i32
      %dma_wait3A_26 = tpu.memref_slice %arg4[%mul3A_2, %dma_wait3A_25] : memref<4096x128xf32, #tpu.memory_space<hbm>> -> memref<128x128xf32, #tpu.memory_space<hbm>>
      tpu.wait_dma2 semaphore(%run_scoped3A : memref<!tpu.dma_semaphore, #tpu.memory_space<semaphore_mem>>) src(%dma_wait3A_26 : memref<128x128xf32, #tpu.memory_space<hbm>>) dst(%arg11 : memref<128x128xf32, #tpu.memory_space<vmem>>)
      tpu.yield
    }) : () -> ()
    "tpu.region"() ({
      %run_scoped3A = tpu.sem_alloc : memref<!tpu.dma_semaphore, #tpu.memory_space<semaphore_mem>>
      %dma_start3A_19 = arith.constant 0 : i32
      %dma_start3A_20 = tpu.memref_slice %arg5[%mul3A_2, %dma_start3A_19] : memref<4096x128xf32, #tpu.memory_space<hbm>> -> memref<128x128xf32, #tpu.memory_space<hbm>>
      %dma_start3A_21 = arith.constant 0 : i32
      %dma_start3A_22 = tpu.memref_slice %arg5[%mul3A_2, %dma_start3A_21] : memref<4096x128xf32, #tpu.memory_space<hbm>> -> memref<128x128xf32, #tpu.memory_space<hbm>>
      tpu.enqueue_dma source(%dma_start3A_22 : memref<128x128xf32, #tpu.memory_space<hbm>>) target(%arg12 : memref<128x128xf32, #tpu.memory_space<vmem>>) target_semaphore(%run_scoped3A : memref<!tpu.dma_semaphore, #tpu.memory_space<semaphore_mem>>)
      %dma_wait3A_23 = arith.constant 0 : i32
      %dma_wait3A_24 = tpu.memref_slice %arg5[%mul3A_2, %dma_wait3A_23] : memref<4096x128xf32, #tpu.memory_space<hbm>> -> memref<128x128xf32, #tpu.memory_space<hbm>>
      %dma_wait3A_25 = arith.constant 0 : i32
      %dma_wait3A_26 = tpu.memref_slice %arg5[%mul3A_2, %dma_wait3A_25] : memref<4096x128xf32, #tpu.memory_space<hbm>> -> memref<128x128xf32, #tpu.memory_space<hbm>>
      tpu.wait_dma2 semaphore(%run_scoped3A : memref<!tpu.dma_semaphore, #tpu.memory_space<semaphore_mem>>) src(%dma_wait3A_26 : memref<128x128xf32, #tpu.memory_space<hbm>>) dst(%arg12 : memref<128x128xf32, #tpu.memory_space<vmem>>)
      tpu.yield
    }) : () -> ()
    %dma_wait3A = arith.constant 0 : i32
    %dma_wait3A_5 = arith.constant 0 : i32
    %dma_wait3A_6 = tpu.memref_slice %arg2[%dma_wait3A, %dma_wait3A_5] : memref<100000x128xf32, #tpu.memory_space<hbm>> -> memref<100000x128xf32, #tpu.memory_space<hbm>>
    tpu.wait_indirect_dma semaphore(%arg14 : memref<!tpu.dma_semaphore, #tpu.memory_space<semaphore_mem>>) src(%dma_wait3A_6 : memref<100000x128xf32, #tpu.memory_space<hbm>>) dst(%arg10 : memref<128x128xf32, #tpu.memory_space<vmem>>)
    %broadcast_in_dim3A = arith.constant 0.000000e+00 : f32
    %broadcast_in_dim3A_7 = vector.broadcast %broadcast_in_dim3A : f32 to vector<16xf32>
    %scan3A = arith.constant 0 : i32
    %scan3A_8 = arith.constant 128 : i32
    %scan3A_9 = arith.addi %scan3A, %scan3A_8 : i32
    %scan3A_10 = arith.constant 1 : i32
    %scan3A_11 = scf.for %scan3A_19 = %scan3A to %scan3A_9 step %scan3A_10 iter_args(%scan3A_20 = %broadcast_in_dim3A_7) -> (vector<16xf32>)  : i32 {
      %get3A = arith.index_cast %scan3A_19 : i32 to index
      %get3A_21 = arith.constant 0 : index
      %get3A_22 = tpu.vector_load %arg10[%get3A, %get3A_21] {strides = array<i32>} : memref<128x128xf32, #tpu.memory_space<vmem>>, vector<1x16xf32>,
      %get3A_23 = vector.shape_cast %get3A_22 : vector<1x16xf32> to vector<16xf32>
      %get3A_24 = arith.index_cast %scan3A_19 : i32 to index
      %get3A_25 = arith.constant 0 : index
      %get3A_26 = tpu.vector_load %arg11[%get3A_24, %get3A_25] {strides = array<i32>} : memref<128x128xf32, #tpu.memory_space<vmem>>, vector<1x16xf32>,
      %get3A_27 = vector.shape_cast %get3A_26 : vector<1x16xf32> to vector<16xf32>
      %get3A_28 = arith.index_cast %scan3A_19 : i32 to index
      %get3A_29 = arith.constant 0 : index
      %get3A_30 = tpu.vector_load %arg12[%get3A_28, %get3A_29] {strides = array<i32>} : memref<128x128xf32, #tpu.memory_space<vmem>>, vector<1x16xf32>,
      %get3A_31 = vector.shape_cast %get3A_30 : vector<1x16xf32> to vector<16xf32>
      %sub3A = arith.subf %get3A_27, %get3A_23 : vector<16xf32>
      %mul3A_32 = arith.mulf %sub3A, %sub3A : vector<16xf32>
      %add3A_33 = arith.addf %scan3A_20, %mul3A_32 : vector<16xf32>
      %mul3A_34 = arith.constant 5.000000e-01 : f32
      %mul3A_35 = vector.broadcast %mul3A_34 : f32 to vector<16xf32>
      %mul3A_36 = arith.mulf %mul3A_35, %get3A_23 : vector<16xf32>
      %mul3A_37 = arith.constant 5.000000e-01 : f32
      %mul3A_38 = vector.broadcast %mul3A_37 : f32 to vector<16xf32>
      %mul3A_39 = arith.mulf %mul3A_38, %get3A_31 : vector<16xf32>
      %add3A_40 = arith.addf %mul3A_36, %mul3A_39 : vector<16xf32>
      %swap3A_41 = arith.index_cast %scan3A_19 : i32 to index
      %swap3A_42 = arith.constant 0 : index
      %swap3A_43 = tpu.vector_load %arg12[%swap3A_41, %swap3A_42] {strides = array<i32>} : memref<128x128xf32, #tpu.memory_space<vmem>>, vector<1x16xf32>,
      %swap3A_44 = vector.shape_cast %swap3A_43 : vector<1x16xf32> to vector<16xf32>
      %swap3A_45 = vector.shape_cast %add3A_40 : vector<16xf32> to vector<1x16xf32>
      tpu.vector_store %arg12[%swap3A_41, %swap3A_42], %swap3A_45 {strides = array<i32>} : memref<128x128xf32, #tpu.memory_space<vmem>>, vector<1x16xf32>,
      %get3A_46 = arith.index_cast %scan3A_19 : i32 to index
      %get3A_47 = arith.constant 16 : index
      %get3A_48 = tpu.vector_load %arg10[%get3A_46, %get3A_47] {strides = array<i32>} : memref<128x128xf32, #tpu.memory_space<vmem>>, vector<1x16xf32>,
      %get3A_49 = vector.shape_cast %get3A_48 : vector<1x16xf32> to vector<16xf32>
      %get3A_50 = arith.index_cast %scan3A_19 : i32 to index
      %get3A_51 = arith.constant 16 : index
      %get3A_52 = tpu.vector_load %arg11[%get3A_50, %get3A_51] {strides = array<i32>} : memref<128x128xf32, #tpu.memory_space<vmem>>, vector<1x16xf32>,
      %get3A_53 = vector.shape_cast %get3A_52 : vector<1x16xf32> to vector<16xf32>
      %get3A_54 = arith.index_cast %scan3A_19 : i32 to index
      %get3A_55 = arith.constant 16 : index
      %get3A_56 = tpu.vector_load %arg12[%get3A_54, %get3A_55] {strides = array<i32>} : memref<128x128xf32, #tpu.memory_space<vmem>>, vector<1x16xf32>,
      %get3A_57 = vector.shape_cast %get3A_56 : vector<1x16xf32> to vector<16xf32>
      %sub3A_58 = arith.subf %get3A_53, %get3A_49 : vector<16xf32>
      %mul3A_59 = arith.mulf %sub3A_58, %sub3A_58 : vector<16xf32>
      %add3A_60 = arith.addf %add3A_33, %mul3A_59 : vector<16xf32>
      %mul3A_61 = arith.constant 5.000000e-01 : f32
      %mul3A_62 = vector.broadcast %mul3A_61 : f32 to vector<16xf32>
      %mul3A_63 = arith.mulf %mul3A_62, %get3A_49 : vector<16xf32>
      %mul3A_64 = arith.constant 5.000000e-01 : f32
      %mul3A_65 = vector.broadcast %mul3A_64 : f32 to vector<16xf32>
      %mul3A_66 = arith.mulf %mul3A_65, %get3A_57 : vector<16xf32>
      %add3A_67 = arith.addf %mul3A_63, %mul3A_66 : vector<16xf32>
      %swap3A_68 = arith.index_cast %scan3A_19 : i32 to index
      %swap3A_69 = arith.constant 16 : index
      %swap3A_70 = tpu.vector_load %arg12[%swap3A_68, %swap3A_69] {strides = array<i32>} : memref<128x128xf32, #tpu.memory_space<vmem>>, vector<1x16xf32>,
      %swap3A_71 = vector.shape_cast %swap3A_70 : vector<1x16xf32> to vector<16xf32>
      %swap3A_72 = vector.shape_cast %add3A_67 : vector<16xf32> to vector<1x16xf32>
      tpu.vector_store %arg12[%swap3A_68, %swap3A_69], %swap3A_72 {strides = array<i32>} : memref<128x128xf32, #tpu.memory_space<vmem>>, vector<1x16xf32>,
      %get3A_73 = arith.index_cast %scan3A_19 : i32 to index
      %get3A_74 = arith.constant 32 : index
      %get3A_75 = tpu.vector_load %arg10[%get3A_73, %get3A_74] {strides = array<i32>} : memref<128x128xf32, #tpu.memory_space<vmem>>, vector<1x16xf32>,
      %get3A_76 = vector.shape_cast %get3A_75 : vector<1x16xf32> to vector<16xf32>
      %get3A_77 = arith.index_cast %scan3A_19 : i32 to index
      %get3A_78 = arith.constant 32 : index
      %get3A_79 = tpu.vector_load %arg11[%get3A_77, %get3A_78] {strides = array<i32>} : memref<128x128xf32, #tpu.memory_space<vmem>>, vector<1x16xf32>,
      %get3A_80 = vector.shape_cast %get3A_79 : vector<1x16xf32> to vector<16xf32>
      %get3A_81 = arith.index_cast %scan3A_19 : i32 to index
      %get3A_82 = arith.constant 32 : index
      %get3A_83 = tpu.vector_load %arg12[%get3A_81, %get3A_82] {strides = array<i32>} : memref<128x128xf32, #tpu.memory_space<vmem>>, vector<1x16xf32>,
      %get3A_84 = vector.shape_cast %get3A_83 : vector<1x16xf32> to vector<16xf32>
      %sub3A_85 = arith.subf %get3A_80, %get3A_76 : vector<16xf32>
      %mul3A_86 = arith.mulf %sub3A_85, %sub3A_85 : vector<16xf32>
      %add3A_87 = arith.addf %add3A_60, %mul3A_86 : vector<16xf32>
      %mul3A_88 = arith.constant 5.000000e-01 : f32
      %mul3A_89 = vector.broadcast %mul3A_88 : f32 to vector<16xf32>
      %mul3A_90 = arith.mulf %mul3A_89, %get3A_76 : vector<16xf32>
      %mul3A_91 = arith.constant 5.000000e-01 : f32
      %mul3A_92 = vector.broadcast %mul3A_91 : f32 to vector<16xf32>
      %mul3A_93 = arith.mulf %mul3A_92, %get3A_84 : vector<16xf32>
      %add3A_94 = arith.addf %mul3A_90, %mul3A_93 : vector<16xf32>
      %swap3A_95 = arith.index_cast %scan3A_19 : i32 to index
      %swap3A_96 = arith.constant 32 : index
      %swap3A_97 = tpu.vector_load %arg12[%swap3A_95, %swap3A_96] {strides = array<i32>} : memref<128x128xf32, #tpu.memory_space<vmem>>, vector<1x16xf32>,
      %swap3A_98 = vector.shape_cast %swap3A_97 : vector<1x16xf32> to vector<16xf32>
      %swap3A_99 = vector.shape_cast %add3A_94 : vector<16xf32> to vector<1x16xf32>
      tpu.vector_store %arg12[%swap3A_95, %swap3A_96], %swap3A_99 {strides = array<i32>} : memref<128x128xf32, #tpu.memory_space<vmem>>, vector<1x16xf32>,
      %get3A_100 = arith.index_cast %scan3A_19 : i32 to index
      %get3A_101 = arith.constant 48 : index
      %get3A_102 = tpu.vector_load %arg10[%get3A_100, %get3A_101] {strides = array<i32>} : memref<128x128xf32, #tpu.memory_space<vmem>>, vector<1x16xf32>,
      %get3A_103 = vector.shape_cast %get3A_102 : vector<1x16xf32> to vector<16xf32>
      %get3A_104 = arith.index_cast %scan3A_19 : i32 to index
      %get3A_105 = arith.constant 48 : index
      %get3A_106 = tpu.vector_load %arg11[%get3A_104, %get3A_105] {strides = array<i32>} : memref<128x128xf32, #tpu.memory_space<vmem>>, vector<1x16xf32>,
      %get3A_107 = vector.shape_cast %get3A_106 : vector<1x16xf32> to vector<16xf32>
      %get3A_108 = arith.index_cast %scan3A_19 : i32 to index
      %get3A_109 = arith.constant 48 : index
      %get3A_110 = tpu.vector_load %arg12[%get3A_108, %get3A_109] {strides = array<i32>} : memref<128x128xf32, #tpu.memory_space<vmem>>, vector<1x16xf32>,
      %get3A_111 = vector.shape_cast %get3A_110 : vector<1x16xf32> to vector<16xf32>
      %sub3A_112 = arith.subf %get3A_107, %get3A_103 : vector<16xf32>
      %mul3A_113 = arith.mulf %sub3A_112, %sub3A_112 : vector<16xf32>
      %add3A_114 = arith.addf %add3A_87, %mul3A_113 : vector<16xf32>
      %mul3A_115 = arith.constant 5.000000e-01 : f32
      %mul3A_116 = vector.broadcast %mul3A_115 : f32 to vector<16xf32>
      %mul3A_117 = arith.mulf %mul3A_116, %get3A_103 : vector<16xf32>
      %mul3A_118 = arith.constant 5.000000e-01 : f32
      %mul3A_119 = vector.broadcast %mul3A_118 : f32 to vector<16xf32>
      %mul3A_120 = arith.mulf %mul3A_119, %get3A_111 : vector<16xf32>
      %add3A_121 = arith.addf %mul3A_117, %mul3A_120 : vector<16xf32>
      %swap3A_122 = arith.index_cast %scan3A_19 : i32 to index
      %swap3A_123 = arith.constant 48 : index
      %swap3A_124 = tpu.vector_load %arg12[%swap3A_122, %swap3A_123] {strides = array<i32>} : memref<128x128xf32, #tpu.memory_space<vmem>>, vector<1x16xf32>,
      %swap3A_125 = vector.shape_cast %swap3A_124 : vector<1x16xf32> to vector<16xf32>
      %swap3A_126 = vector.shape_cast %add3A_121 : vector<16xf32> to vector<1x16xf32>
      tpu.vector_store %arg12[%swap3A_122, %swap3A_123], %swap3A_126 {strides = array<i32>} : memref<128x128xf32, #tpu.memory_space<vmem>>, vector<1x16xf32>,
      %get3A_127 = arith.index_cast %scan3A_19 : i32 to index
      %get3A_128 = arith.constant 64 : index
      %get3A_129 = tpu.vector_load %arg10[%get3A_127, %get3A_128] {strides = array<i32>} : memref<128x128xf32, #tpu.memory_space<vmem>>, vector<1x16xf32>,
      %get3A_130 = vector.shape_cast %get3A_129 : vector<1x16xf32> to vector<16xf32>
      %get3A_131 = arith.index_cast %scan3A_19 : i32 to index
      %get3A_132 = arith.constant 64 : index
      %get3A_133 = tpu.vector_load %arg11[%get3A_131, %get3A_132] {strides = array<i32>} : memref<128x128xf32, #tpu.memory_space<vmem>>, vector<1x16xf32>,
      %get3A_134 = vector.shape_cast %get3A_133 : vector<1x16xf32> to vector<16xf32>
      %get3A_135 = arith.index_cast %scan3A_19 : i32 to index
      %get3A_136 = arith.constant 64 : index
      %get3A_137 = tpu.vector_load %arg12[%get3A_135, %get3A_136] {strides = array<i32>} : memref<128x128xf32, #tpu.memory_space<vmem>>, vector<1x16xf32>,
      %get3A_138 = vector.shape_cast %get3A_137 : vector<1x16xf32> to vector<16xf32>
      %sub3A_139 = arith.subf %get3A_134, %get3A_130 : vector<16xf32>
      %mul3A_140 = arith.mulf %sub3A_139, %sub3A_139 : vector<16xf32>
      %add3A_141 = arith.addf %add3A_114, %mul3A_140 : vector<16xf32>
      %mul3A_142 = arith.constant 5.000000e-01 : f32
      %mul3A_143 = vector.broadcast %mul3A_142 : f32 to vector<16xf32>
      %mul3A_144 = arith.mulf %mul3A_143, %get3A_130 : vector<16xf32>
      %mul3A_145 = arith.constant 5.000000e-01 : f32
      %mul3A_146 = vector.broadcast %mul3A_145 : f32 to vector<16xf32>
      %mul3A_147 = arith.mulf %mul3A_146, %get3A_138 : vector<16xf32>
      %add3A_148 = arith.addf %mul3A_144, %mul3A_147 : vector<16xf32>
      %swap3A_149 = arith.index_cast %scan3A_19 : i32 to index
      %swap3A_150 = arith.constant 64 : index
      %swap3A_151 = tpu.vector_load %arg12[%swap3A_149, %swap3A_150] {strides = array<i32>} : memref<128x128xf32, #tpu.memory_space<vmem>>, vector<1x16xf32>,
      %swap3A_152 = vector.shape_cast %swap3A_151 : vector<1x16xf32> to vector<16xf32>
      %swap3A_153 = vector.shape_cast %add3A_148 : vector<16xf32> to vector<1x16xf32>
      tpu.vector_store %arg12[%swap3A_149, %swap3A_150], %swap3A_153 {strides = array<i32>} : memref<128x128xf32, #tpu.memory_space<vmem>>, vector<1x16xf32>,
      %get3A_154 = arith.index_cast %scan3A_19 : i32 to index
      %get3A_155 = arith.constant 80 : index
      %get3A_156 = tpu.vector_load %arg10[%get3A_154, %get3A_155] {strides = array<i32>} : memref<128x128xf32, #tpu.memory_space<vmem>>, vector<1x16xf32>,
      %get3A_157 = vector.shape_cast %get3A_156 : vector<1x16xf32> to vector<16xf32>
      %get3A_158 = arith.index_cast %scan3A_19 : i32 to index
      %get3A_159 = arith.constant 80 : index
      %get3A_160 = tpu.vector_load %arg11[%get3A_158, %get3A_159] {strides = array<i32>} : memref<128x128xf32, #tpu.memory_space<vmem>>, vector<1x16xf32>,
      %get3A_161 = vector.shape_cast %get3A_160 : vector<1x16xf32> to vector<16xf32>
      %get3A_162 = arith.index_cast %scan3A_19 : i32 to index
      %get3A_163 = arith.constant 80 : index
      %get3A_164 = tpu.vector_load %arg12[%get3A_162, %get3A_163] {strides = array<i32>} : memref<128x128xf32, #tpu.memory_space<vmem>>, vector<1x16xf32>,
      %get3A_165 = vector.shape_cast %get3A_164 : vector<1x16xf32> to vector<16xf32>
      %sub3A_166 = arith.subf %get3A_161, %get3A_157 : vector<16xf32>
      %mul3A_167 = arith.mulf %sub3A_166, %sub3A_166 : vector<16xf32>
      %add3A_168 = arith.addf %add3A_141, %mul3A_167 : vector<16xf32>
      %mul3A_169 = arith.constant 5.000000e-01 : f32
      %mul3A_170 = vector.broadcast %mul3A_169 : f32 to vector<16xf32>
      %mul3A_171 = arith.mulf %mul3A_170, %get3A_157 : vector<16xf32>
      %mul3A_172 = arith.constant 5.000000e-01 : f32
      %mul3A_173 = vector.broadcast %mul3A_172 : f32 to vector<16xf32>
      %mul3A_174 = arith.mulf %mul3A_173, %get3A_165 : vector<16xf32>
      %add3A_175 = arith.addf %mul3A_171, %mul3A_174 : vector<16xf32>
      %swap3A_176 = arith.index_cast %scan3A_19 : i32 to index
      %swap3A_177 = arith.constant 80 : index
      %swap3A_178 = tpu.vector_load %arg12[%swap3A_176, %swap3A_177] {strides = array<i32>} : memref<128x128xf32, #tpu.memory_space<vmem>>, vector<1x16xf32>,
      %swap3A_179 = vector.shape_cast %swap3A_178 : vector<1x16xf32> to vector<16xf32>
      %swap3A_180 = vector.shape_cast %add3A_175 : vector<16xf32> to vector<1x16xf32>
      tpu.vector_store %arg12[%swap3A_176, %swap3A_177], %swap3A_180 {strides = array<i32>} : memref<128x128xf32, #tpu.memory_space<vmem>>, vector<1x16xf32>,
      %get3A_181 = arith.index_cast %scan3A_19 : i32 to index
      %get3A_182 = arith.constant 96 : index
      %get3A_183 = tpu.vector_load %arg10[%get3A_181, %get3A_182] {strides = array<i32>} : memref<128x128xf32, #tpu.memory_space<vmem>>, vector<1x16xf32>,
      %get3A_184 = vector.shape_cast %get3A_183 : vector<1x16xf32> to vector<16xf32>
      %get3A_185 = arith.index_cast %scan3A_19 : i32 to index
      %get3A_186 = arith.constant 96 : index
      %get3A_187 = tpu.vector_load %arg11[%get3A_185, %get3A_186] {strides = array<i32>} : memref<128x128xf32, #tpu.memory_space<vmem>>, vector<1x16xf32>,
      %get3A_188 = vector.shape_cast %get3A_187 : vector<1x16xf32> to vector<16xf32>
      %get3A_189 = arith.index_cast %scan3A_19 : i32 to index
      %get3A_190 = arith.constant 96 : index
      %get3A_191 = tpu.vector_load %arg12[%get3A_189, %get3A_190] {strides = array<i32>} : memref<128x128xf32, #tpu.memory_space<vmem>>, vector<1x16xf32>,
      %get3A_192 = vector.shape_cast %get3A_191 : vector<1x16xf32> to vector<16xf32>
      %sub3A_193 = arith.subf %get3A_188, %get3A_184 : vector<16xf32>
      %mul3A_194 = arith.mulf %sub3A_193, %sub3A_193 : vector<16xf32>
      %add3A_195 = arith.addf %add3A_168, %mul3A_194 : vector<16xf32>
      %mul3A_196 = arith.constant 5.000000e-01 : f32
      %mul3A_197 = vector.broadcast %mul3A_196 : f32 to vector<16xf32>
      %mul3A_198 = arith.mulf %mul3A_197, %get3A_184 : vector<16xf32>
      %mul3A_199 = arith.constant 5.000000e-01 : f32
      %mul3A_200 = vector.broadcast %mul3A_199 : f32 to vector<16xf32>
      %mul3A_201 = arith.mulf %mul3A_200, %get3A_192 : vector<16xf32>
      %add3A_202 = arith.addf %mul3A_198, %mul3A_201 : vector<16xf32>
      %swap3A_203 = arith.index_cast %scan3A_19 : i32 to index
      %swap3A_204 = arith.constant 96 : index
      %swap3A_205 = tpu.vector_load %arg12[%swap3A_203, %swap3A_204] {strides = array<i32>} : memref<128x128xf32, #tpu.memory_space<vmem>>, vector<1x16xf32>,
      %swap3A_206 = vector.shape_cast %swap3A_205 : vector<1x16xf32> to vector<16xf32>
      %swap3A_207 = vector.shape_cast %add3A_202 : vector<16xf32> to vector<1x16xf32>
      tpu.vector_store %arg12[%swap3A_203, %swap3A_204], %swap3A_207 {strides = array<i32>} : memref<128x128xf32, #tpu.memory_space<vmem>>, vector<1x16xf32>,
      %get3A_208 = arith.index_cast %scan3A_19 : i32 to index
      %get3A_209 = arith.constant 112 : index
      %get3A_210 = tpu.vector_load %arg10[%get3A_208, %get3A_209] {strides = array<i32>} : memref<128x128xf32, #tpu.memory_space<vmem>>, vector<1x16xf32>,
      %get3A_211 = vector.shape_cast %get3A_210 : vector<1x16xf32> to vector<16xf32>
      %get3A_212 = arith.index_cast %scan3A_19 : i32 to index
      %get3A_213 = arith.constant 112 : index
      %get3A_214 = tpu.vector_load %arg11[%get3A_212, %get3A_213] {strides = array<i32>} : memref<128x128xf32, #tpu.memory_space<vmem>>, vector<1x16xf32>,
      %get3A_215 = vector.shape_cast %get3A_214 : vector<1x16xf32> to vector<16xf32>
      %get3A_216 = arith.index_cast %scan3A_19 : i32 to index
      %get3A_217 = arith.constant 112 : index
      %get3A_218 = tpu.vector_load %arg12[%get3A_216, %get3A_217] {strides = array<i32>} : memref<128x128xf32, #tpu.memory_space<vmem>>, vector<1x16xf32>,
      %get3A_219 = vector.shape_cast %get3A_218 : vector<1x16xf32> to vector<16xf32>
      %sub3A_220 = arith.subf %get3A_215, %get3A_211 : vector<16xf32>
      %mul3A_221 = arith.mulf %sub3A_220, %sub3A_220 : vector<16xf32>
      %add3A_222 = arith.addf %add3A_195, %mul3A_221 : vector<16xf32>
      %mul3A_223 = arith.constant 5.000000e-01 : f32
      %mul3A_224 = vector.broadcast %mul3A_223 : f32 to vector<16xf32>
      %mul3A_225 = arith.mulf %mul3A_224, %get3A_211 : vector<16xf32>
      %mul3A_226 = arith.constant 5.000000e-01 : f32
      %mul3A_227 = vector.broadcast %mul3A_226 : f32 to vector<16xf32>
      %mul3A_228 = arith.mulf %mul3A_227, %get3A_219 : vector<16xf32>
      %add3A_229 = arith.addf %mul3A_225, %mul3A_228 : vector<16xf32>
      %swap3A_230 = arith.index_cast %scan3A_19 : i32 to index
      %swap3A_231 = arith.constant 112 : index
      %swap3A_232 = tpu.vector_load %arg12[%swap3A_230, %swap3A_231] {strides = array<i32>} : memref<128x128xf32, #tpu.memory_space<vmem>>, vector<1x16xf32>,
      %swap3A_233 = vector.shape_cast %swap3A_232 : vector<1x16xf32> to vector<16xf32>
      %swap3A_234 = vector.shape_cast %add3A_229 : vector<16xf32> to vector<1x16xf32>
      tpu.vector_store %arg12[%swap3A_230, %swap3A_231], %swap3A_234 {strides = array<i32>} : memref<128x128xf32, #tpu.memory_space<vmem>>, vector<1x16xf32>,
      scf.yield %add3A_222 : vector<16xf32>
    }
    %scan3A_12 = arith.constant 128 : i32
    %mul3A_13 = arith.constant 1.22070313E-4 : f32
    %mul3A_14 = vector.broadcast %mul3A_13 : f32 to vector<16xf32>
    %mul3A_15 = arith.mulf %scan3A_11, %mul3A_14 : vector<16xf32>
    %swap3A = arith.constant 0 : index
    %swap3A_16 = tpu.vector_load %arg13[%swap3A] {strides = array<i32>} : memref<16xf32, #tpu.memory_space<vmem>>, vector<16xf32>,
    %swap3A_17 = vector.shape_cast %swap3A_16 : vector<16xf32> to vector<16xf32>
    %swap3A_18 = vector.shape_cast %mul3A_15 : vector<16xf32> to vector<16xf32>
    tpu.vector_store %arg13[%swap3A], %swap3A_18 {strides = array<i32>} : memref<16xf32, #tpu.memory_space<vmem>>, vector<16xf32>,
    "tpu.region"() ({
      %run_scoped3A = tpu.sem_alloc : memref<!tpu.dma_semaphore, #tpu.memory_space<semaphore_mem>>
      %dma_start3A_19 = arith.constant 0 : i32
      %dma_start3A_20 = tpu.memref_slice %arg7[%add3A, %dma_start3A_19] : memref<32x16xf32, #tpu.memory_space<hbm>> -> memref<1x16xf32, #tpu.memory_space<hbm>>
      %dma_start3A_21 = tpu.memref_squeeze %dma_start3A_20 : memref<1x16xf32, #tpu.memory_space<hbm>> -> memref<16xf32, #tpu.memory_space<hbm>>
      %dma_start3A_22 = arith.constant 0 : i32
      %dma_start3A_23 = tpu.memref_slice %arg7[%add3A, %dma_start3A_22] : memref<32x16xf32, #tpu.memory_space<hbm>> -> memref<1x16xf32, #tpu.memory_space<hbm>>
      %dma_start3A_24 = tpu.memref_squeeze %dma_start3A_23 : memref<1x16xf32, #tpu.memory_space<hbm>> -> memref<16xf32, #tpu.memory_space<hbm>>
      tpu.enqueue_dma source(%arg13 : memref<16xf32, #tpu.memory_space<vmem>>) target(%dma_start3A_24 : memref<16xf32, #tpu.memory_space<hbm>>) target_semaphore(%run_scoped3A : memref<!tpu.dma_semaphore, #tpu.memory_space<semaphore_mem>>)
      %dma_wait3A_25 = arith.constant 0 : i32
      %dma_wait3A_26 = tpu.memref_slice %arg7[%add3A, %dma_wait3A_25] : memref<32x16xf32, #tpu.memory_space<hbm>> -> memref<1x16xf32, #tpu.memory_space<hbm>>
      %dma_wait3A_27 = tpu.memref_squeeze %dma_wait3A_26 : memref<1x16xf32, #tpu.memory_space<hbm>> -> memref<16xf32, #tpu.memory_space<hbm>>
      %dma_wait3A_28 = arith.constant 0 : i32
      %dma_wait3A_29 = tpu.memref_slice %arg7[%add3A, %dma_wait3A_28] : memref<32x16xf32, #tpu.memory_space<hbm>> -> memref<1x16xf32, #tpu.memory_space<hbm>>
      %dma_wait3A_30 = tpu.memref_squeeze %dma_wait3A_29 : memref<1x16xf32, #tpu.memory_space<hbm>> -> memref<16xf32, #tpu.memory_space<hbm>>
      tpu.wait_dma2 semaphore(%run_scoped3A : memref<!tpu.dma_semaphore, #tpu.memory_space<semaphore_mem>>) src(%arg13 : memref<16xf32, #tpu.memory_space<vmem>>) dst(%dma_wait3A_30 : memref<16xf32, #tpu.memory_space<hbm>>)
      tpu.yield
    }) : () -> ()
    "tpu.region"() ({
      %run_scoped3A = tpu.sem_alloc : memref<!tpu.dma_semaphore, #tpu.memory_space<semaphore_mem>>
      %dma_start3A_19 = arith.constant 0 : i32
      %dma_start3A_20 = arith.constant 0 : i32
      %dma_start3A_21 = tpu.memref_slice %arg6[%dma_start3A_19, %dma_start3A_20] : memref<100000x128xf32, #tpu.memory_space<hbm>> -> memref<100000x128xf32, #tpu.memory_space<hbm>>
      tpu.enqueue_indirect_dma source(%arg12 : memref<128x128xf32, #tpu.memory_space<vmem>>) target(%dma_start3A_21 : memref<100000x128xf32, #tpu.memory_space<hbm>>) offsets(%arg9 : memref<128xi32, #tpu.memory_space<vmem>>) semaphore(%run_scoped3A : memref<!tpu.dma_semaphore, #tpu.memory_space<semaphore_mem>>)
      %dma_wait3A_22 = arith.constant 0 : i32
      %dma_wait3A_23 = arith.constant 0 : i32
      %dma_wait3A_24 = tpu.memref_slice %arg6[%dma_wait3A_22, %dma_wait3A_23] : memref<100000x128xf32, #tpu.memory_space<hbm>> -> memref<100000x128xf32, #tpu.memory_space<hbm>>
      tpu.wait_indirect_dma semaphore(%run_scoped3A : memref<!tpu.dma_semaphore, #tpu.memory_space<semaphore_mem>>) src(%arg12 : memref<128x128xf32, #tpu.memory_space<vmem>>) dst(%dma_wait3A_24 : memref<100000x128xf32, #tpu.memory_space<hbm>>)
      tpu.yield
    }) : () -> ()
    return
  }
}

module attributes {stable_mosaic.version = 14 : i64} {
  func.func @_seg_mean_body(%arg0: i32, %arg1: memref<4096x1xf32, #tpu.memory_space<vmem>>, %arg2: memref<1x256xf32, #tpu.memory_space<vmem>>, %arg3: memref<4096x128xf32, #tpu.memory_space<vmem>>, %arg4: memref<5000x128xf32, #tpu.memory_space<vmem>>, %arg5: memref<256x128xf32, #tpu.memory_space<vmem>>, %arg6: memref<5000x128xf32, #tpu.memory_space<vmem>>) attributes {dimension_semantics = [#tpu.dimension_semantics<arbitrary>], iteration_bounds = array<i64: 20>, scalar_prefetch = 0 : i64, scratch_operands = 0 : i64, tpu.core_type = #tpu.core_type<tc>, window_params = [{pipeline_mode = #tpu.pipeline_mode<synchronous>, transform_indices = @transform_0, window_bounds = array<i64: 4096, 1>}, {transform_indices = @transform_1, window_bounds = array<i64: 1, 256>}, {pipeline_mode = #tpu.pipeline_mode<synchronous>, transform_indices = @transform_2, window_bounds = array<i64: 4096, 128>}, {transform_indices = @transform_3, window_bounds = array<i64: 5000, 128>}, {transform_indices = @transform_4, window_bounds = array<i64: 256, 128>}, {transform_indices = @transform_5, window_bounds = array<i64: 5000, 128>}]} {
    %get3A = arith.constant 0 : index
    %get3A_0 = arith.constant 0 : index
    %get3A_1 = vector.load %arg4[%get3A, %get3A_0] : memref<5000x128xf32, #tpu.memory_space<vmem>>, vector<5000x128xf32>
    %swap3A = arith.constant 0 : index
    %swap3A_2 = arith.constant 0 : index
    %swap3A_3 = vector.load %arg6[%swap3A, %swap3A_2] : memref<5000x128xf32, #tpu.memory_space<vmem>>, vector<5000x128xf32>
    tpu.vector_store %arg6[%swap3A, %swap3A_2], %get3A_1 {strides = array<i32>} : memref<5000x128xf32, #tpu.memory_space<vmem>>, vector<5000x128xf32>,
    %lt3A = arith.constant 16 : i32
    %lt3A_4 = arith.cmpi slt, %arg0, %lt3A : i32
    %convert_element_type3A = arith.extui %lt3A_4 : i1 to i32
    %cond3A = arith.constant 0 : i32
    %cond3A_5 = arith.cmpi ne, %convert_element_type3A, %cond3A : i32
    scf.if %cond3A_5 {
      %get3A_6 = arith.constant 0 : index
      %get3A_7 = arith.constant 0 : index
      %get3A_8 = vector.load %arg1[%get3A_6, %get3A_7] : memref<4096x1xf32, #tpu.memory_space<vmem>>, vector<4096x1xf32>
      %get3A_9 = arith.constant 0 : index
      %get3A_10 = arith.constant 0 : index
      %get3A_11 = vector.load %arg2[%get3A_9, %get3A_10] : memref<1x256xf32, #tpu.memory_space<vmem>>, vector<1x256xf32>
      %eq3A = vector.broadcast %get3A_8 : vector<4096x1xf32> to vector<4096x256xf32>
      %eq3A_12 = vector.broadcast %get3A_11 : vector<1x256xf32> to vector<4096x256xf32>
      %eq3A_13 = arith.cmpf oeq, %eq3A, %eq3A_12 : vector<4096x256xf32>
      %convert_element_type3A_14 = arith.extui %eq3A_13 : vector<4096x256xi1> to vector<4096x256xi32>
      %convert_element_type3A_15 = arith.sitofp %convert_element_type3A_14 : vector<4096x256xi32> to vector<4096x256xf32>
      %get3A_16 = arith.constant 0 : index
      %get3A_17 = arith.constant 0 : index
      %get3A_18 = vector.load %arg3[%get3A_16, %get3A_17] : memref<4096x128xf32, #tpu.memory_space<vmem>>, vector<4096x128xf32>
      %dot_general3A = arith.constant dense<0.000000e+00> : vector<256x128xf32>
      %dot_general3A_19 = tpu.matmul %convert_element_type3A_15, %get3A_18, %dot_general3A {dimension_numbers = #tpu.dot_dimension_numbers<[0], [0], [1], [1], [0, 1, 1, 1], [], []>, transpose_lhs_hint = false} : vector<4096x256xf32>, vector<4096x128xf32>, vector<256x128xf32> -> vector<256x128xf32>
      %reduce_sum3A = arith.constant dense<0.000000e+00> : vector<256xf32>
      %reduce_sum3A_20 = vector.multi_reduction <add>, %convert_element_type3A_15, %reduce_sum3A [0] : vector<4096x256xf32> to vector<256xf32>
      %broadcast_in_dim3A = vector.shape_cast %reduce_sum3A_20 : vector<256xf32> to vector<256x1xf32>
      %div3A = vector.broadcast %broadcast_in_dim3A : vector<256x1xf32> to vector<256x128xf32>
      %div3A_21 = arith.divf %dot_general3A_19, %div3A : vector<256x128xf32>
      %swap3A_22 = arith.constant 0 : index
      %swap3A_23 = arith.constant 0 : index
      %swap3A_24 = vector.load %arg5[%swap3A_22, %swap3A_23] : memref<256x128xf32, #tpu.memory_space<vmem>>, vector<256x128xf32>
      tpu.vector_store %arg5[%swap3A_22, %swap3A_23], %div3A_21 {strides = array<i32>} : memref<256x128xf32, #tpu.memory_space<vmem>>, vector<256x128xf32>,
    } else {
    }
    return
  }
  func.func @transform_0(%arg0: i32) -> (i32, i32) {
    %c0_i32 = arith.constant 0 : i32
    %c0_i32_0 = arith.constant 0 : i32
    %c0_i32_1 = arith.constant 0 : i32
    return %c0_i32, %c0_i32_0 : i32, i32
  }
  func.func @transform_1(%arg0: i32) -> (i32, i32) {
    %min3A = arith.constant 15 : i32
    %min3A_0 = arith.minsi %arg0, %min3A : i32
    %c0_i32 = arith.constant 0 : i32
    %c0_i32_1 = arith.constant 0 : i32
    return %c0_i32, %min3A_0 : i32, i32
  }
  func.func @transform_2(%arg0: i32) -> (i32, i32) {
    %c0_i32 = arith.constant 0 : i32
    %c0_i32_0 = arith.constant 0 : i32
    %c0_i32_1 = arith.constant 0 : i32
    return %c0_i32, %c0_i32_0 : i32, i32
  }
  func.func @transform_3(%arg0: i32) -> (i32, i32) {
    %c0_i32 = arith.constant 0 : i32
    %c0_i32_0 = arith.constant 0 : i32
    return %arg0, %c0_i32 : i32, i32
  }
  func.func @transform_4(%arg0: i32) -> (i32, i32) {
    %min3A = arith.constant 15 : i32
    %min3A_0 = arith.minsi %arg0, %min3A : i32
    %c0_i32 = arith.constant 0 : i32
    %c0_i32_1 = arith.constant 0 : i32
    return %min3A_0, %c0_i32 : i32, i32
  }
  func.func @transform_5(%arg0: i32) -> (i32, i32) {
    %c0_i32 = arith.constant 0 : i32
    %c0_i32_0 = arith.constant 0 : i32
    return %arg0, %c0_i32 : i32, i32
  }
}

</mosaic_0001>

<sc_bundles>
// kernel: kernel.4.cloned.1.call-start
scs
__scs_entry_jumppad:
0x0: {  	(pc) =	sbr.rel $0x88, $3  }
0x1: {  	(tag) =	ssettag $0x0;
	lr =	simm.s32 $0x1  }
0x2: {  	[smem:$0x3F9E] =	sst lr;
	_ =	strace $0xD0000000  }
0x3: {  	_ = 	snop  }
0x4: {  	_ = 	snop  }
0x5: {  	_ = 	snop  }
0x6: {  	_ = 	snop  }
0x7: {  	_ = 	snop  }
__scs_overlays_trampoline_lowered:
0x8: {  	[smem:$0x3FAD] =	sst s0  }
0x9: {  	[smem:$0x3FAE] =	sst s1  }
0xa: {  	[smem:$0x3FAF] =	sst s2  }
0xb: {  	[smem:$0x3FB0] =	sst s3  }
0xc: {  	[smem:$0x3FB1] =	sst s4  }
0xd: {  	[smem:$0x3FB2] =	sst s5  }
0xe: {  	[smem:$0x3FB3] =	sst s6  }
0xf: {  	[smem:$0x3FB4] =	sst s7  }
0x10: {  	[smem:$0x3FB5] =	sst s8  }
0x11: {  	[smem:$0x3FB6] =	sst s9;
	s0 =	simm.s32 @!p0 $0x0  }
0x12: {  	s1 =	sld [smem:$0x3F9C];
	s0 =	simm.s32 @p0 $0x1  }
0x13: {  	[smem:$0x3FB7] =	sst s0;
	s0 =	simm.s32 @!p1 $0x0  }
0x14: {  	s2 =	sld [smem:$0x3F9B];
	s0 =	simm.s32 @p1 $0x1  }
0x15: {  	[smem:$0x3FB8] =	sst s0;
	s0 =	simm.s32 @!p2 $0x0  }
0x16: {  	s3 =	sld [smem:$0x3FDB];
	s0 =	simm.s32 @p2 $0x1  }
0x17: {  	s4 =	simm.s32 $0x1BF5;
	[smem:$0x3FBA] =	sst s0  }
0x18: {  	s0 =	sld [smem:$0x3F9D];
	_ =	swait.ge [sflag:s4], $0x0  }
0x19: {  	s7 =	sld [smem:$0x3F9E]  }
0x1a: {  	s8 =	sadd.s32 $0xFFFFE003, lr  }
0x1b: {  	s9 =	sadd.s32 $0xFFFFFEF7, lr;
	s5 =	simm.s32 $0xFFFFFFFF;
	p2 =	slt.u32 s8, $0xFFFFF086  }
0x1c: {  	p1 =	slt.u32 s9, $0xF7A;
	s5 =	simm.s32 @!p2 $0x0  }
0x1d: {  	s5 =	simm.s32 @p1 $0x1;
	p0 =	seq.s32 s7, s2  }
0x1e: {  	s7 =	smul.u32 @!p0 $0xF7A, s2;
	p2 =	seq.s32 @!p0 s5, $0x0  }
0x1f: {  	s9 =	smul.u32 $0xF7A, s1;
	s8 =	simm.s32 @!p0 $0x1BF5;
	p2 =	por !p2, p0  }
0x20: {  	[sflag:s8] =	ssyncset.s32 @!p0 $0xFFFFF086;
	s6 =	sadd.s32 @!p0 s3, s7;
	s7 =	simm.s32 @!p0 $0x108  }
0x21: {  	s3 =	sadd.s32 s3, s9;
	s6 =	sadd.s32 @!p0 $0x88, s6;
	s7 =	simm.s32 @p2 $0x1082  }
0x22: {  	[simem:s7], [sflag:s8] =	dma.local @!p0 [hbm:s6], $0xF7A  }
0x23: {  	s9 =	sor.u32 $0xD0000000, s2;
	s6 =	simm.s32 $0x108;
	_ =	swait.ge @!p0 [sflag:s8], $0x0  }
0x24: {  	s3 =	sadd.s32 $0x88, s3;
	s6 =	simm.s32 @!p1 $0x1082;
	[sflag:s4] =	ssyncset.s32 $0xFFFFF086  }
0x25: {  	[simem:s6], [sflag:s4] =	dma.local [hbm:s3], $0xF7A  }
0x26: {  	[smem:$0x3F9E] =	sst s1;
	(tag) =	ssettag s2;
	_ =	strace s9  }
0x27: {  	s1 =	sld [smem:$0x3FAE]  }
0x28: {  	s2 =	sld [smem:$0x3FAF]  }
0x29: {  	s4 =	sld [smem:$0x3FB1]  }
0x2a: {  	p0 =	seq.s32 s5, $0x0;
	s5 =	sld [smem:$0x3FB2]  }
0x2b: {  	s6 =	sld [smem:$0x3FB3]  }
0x2c: {  	s7 =	sld [smem:$0x3FB4]  }
0x2d: {  	s3 =	simm.s32 $0x108;
	s8 =	sld [smem:$0x3FB5]  }
0x2e: {  	s3 =	simm.s32 @!p0 $0x1082;
	s9 =	sld [smem:$0x3FB6]  }
0x2f: {  	lr =	sadd.s32 s0, s3;
	s0 =	sld [smem:$0x3FAD]  }
0x30: {  	s3 =	sld [smem:$0x3FB0]  }
0x31: {  	[smem:$0x3FB9] =	sst s10  }
0x32: {  	s10 =	sld [smem:$0x3FB7];
	_ =	sdelay $0x3  }
0x33: {  	p0 =	seq.s32 s10, $0x1;
	s10 =	sld [smem:$0x3FB9];
	_ =	sdelay $0x3  }
0x34: {  	[smem:$0x3FB9] =	sst s10  }
0x35: {  	s10 =	sld [smem:$0x3FB8];
	_ =	sdelay $0x3  }
0x36: {  	p1 =	seq.s32 s10, $0x1;
	s10 =	sld [smem:$0x3FB9];
	_ =	sdelay $0x3  }
0x37: {  	[smem:$0x3FB9] =	sst s10  }
0x38: {  	s10 =	sld [smem:$0x3FBA]  }
0x39: {  	_ = 	snop;
	(pc) =	sbr.ind lr, $3  }
0x3a: {  	_ = 	snop  }
0x3b: {  	_ = 	snop  }
0x3c: {  	p2 =	seq.s32 s10, $0x1;
	s10 =	sld [smem:$0x3FB9]  }
0x3d: {  	_ =	shalt  }
0x3e: {  	_ =	shalt  }
0x3f: {  	_ =	shalt  }
0x40: {  	_ =	shalt  }
0x41: {  	_ =	shalt  }
0x42: {  	_ =	shalt  }
0x43: {  	_ =	shalt  }
0x44: {  	_ =	shalt  }
0x45: {  	_ =	shalt  }
0x46: {  	_ =	shalt  }
0x47: {  	_ =	shalt  }
0x48: {  	_ =	shalt  }
0x49: {  	_ =	shalt  }
0x4a: {  	_ =	shalt  }
0x4b: {  	_ =	shalt  }
0x4c: {  	_ =	shalt  }
0x4d: {  	_ =	shalt  }
0x4e: {  	_ =	shalt  }
0x4f: {  	_ =	shalt  }
0x50: {  	_ =	shalt  }
0x51: {  	_ =	shalt  }
0x52: {  	_ =	shalt  }
0x53: {  	_ =	shalt  }
0x54: {  	_ =	shalt  }
0x55: {  	_ =	shalt  }
0x56: {  	_ =	shalt  }
0x57: {  	_ =	shalt  }
0x58: {  	_ =	shalt  }
0x59: {  	_ =	shalt  }
0x5a: {  	_ =	shalt  }
0x5b: {  	_ =	shalt  }
0x5c: {  	_ =	shalt  }
0x5d: {  	_ =	shalt  }
0x5e: {  	_ =	shalt  }
0x5f: {  	_ =	shalt  }
0x60: {  	_ =	shalt  }
0x61: {  	_ =	shalt  }
0x62: {  	_ =	shalt  }
0x63: {  	_ =	shalt  }
0x64: {  	_ =	shalt  }
0x65: {  	_ =	shalt  }
0x66: {  	_ =	shalt  }
0x67: {  	_ =	shalt  }
0x68: {  	_ =	shalt  }
0x69: {  	_ =	shalt  }
0x6a: {  	_ =	shalt  }
0x6b: {  	_ =	shalt  }
0x6c: {  	_ =	shalt  }
0x6d: {  	_ =	shalt  }
0x6e: {  	_ =	shalt  }
0x6f: {  	_ =	shalt  }
0x70: {  	_ =	shalt  }
0x71: {  	_ =	shalt  }
0x72: {  	_ =	shalt  }
0x73: {  	_ =	shalt  }
0x74: {  	_ =	shalt  }
0x75: {  	_ =	shalt  }
0x76: {  	_ =	shalt  }
0x77: {  	_ =	shalt  }
0x78: {  	_ =	shalt  }
0x79: {  	_ =	shalt  }
0x7a: {  	_ =	shalt  }
0x7b: {  	_ =	shalt  }
0x7c: {  	_ =	shalt  }
0x7d: {  	_ =	shalt  }
0x7e: {  	_ =	shalt  }
0x7f: {  	_ =	shalt  }
0x80: {  	_ =	shalt  }
0x81: {  	_ =	shalt  }
0x82: {  	_ =	shalt  }
0x83: {  	_ =	shalt  }
0x84: {  	_ =	shalt  }
0x85: {  	_ =	shalt  }
0x86: {  	_ =	shalt  }
0x87: {  	_ =	shalt  }
.Lfunc_end0:
.L_simem_size_0:
called_computation_lowered:
.L_overlay_start_0:
0x88: {  	s2 =	sld [smem:$0x3FD9]  }
0x89: {  	s3 =	sld [smem:$0x3FFE];
	_ =	sdelay $0x1  }
0x8a: {  	s1 =	srdreg.scid  }
0x8b: {  	s0 =	sand.u32 $0x1, s1  }
0x8c: {  	s14 =	sshll.u32 s0, $0xA;
	s2 =	sadd.s32 s3, s2  }
0x8d: {  	s2 =	sadd.s32 s2, s14  }
0x8e: {  	[smem:$0x3FC5] =	sst s2  }
0x8f: {  	_ = 	snop  }
0x90: {  	s2 =	sld [smem:$0x3FD0]  }
0x91: {  	s15 =	sld [smem:$0x3FC9]  }
0x92: {  	s4 =	sld [smem:$0x3FC8]  }
0x93: {  	s6 =	simm.s32 $0xA;
	s7 =	simm.s32 $0x10;
	s5 =	sld [smem:$0x3FC7]  }
0x94: {  	[smem:s7], [sflag:s6] =	dma.local [hbm:s2], $0x1  }
0x95: {  	_ =	swait.eq [sflag:s6], $0x1  }
0x96: {  	[sflag:s6] =	ssyncset.done $0x0  }
0x97: {  	[sflag:s6] =	ssyncadd.s32 $0xFFFFFFFF  }
0x98: {  	s16 =	sld [smem:$0x11];
	(tm) =	ssettm $0x1  }
0x99: {  	s17 =	sld [smem:$0x3FFB];
	_ =	sdelay $0x3  }
0x9a: {  	_ =	strace s17  }
0x9b: {  	s6 =	sld [smem:$0x3FFC];
	_ =	sdelay $0x3  }
0x9c: {  	_ =	strace s6  }
0x9d: {  	s6 =	sld [smem:$0x3FFD];
	_ =	sdelay $0x3  }
0x9e: {  	_ =	strace s6  }
0x9f: {  	_ =	strace $0x8FFFFFFF  }
0xa0: {  	s18 =	sld [smem:$0x3FDB];
	_ =	sdelay $0x1  }
0xa1: {  	s19 =	simm.s32 $_scs_section_size  }
0xa2: {  	s8 =	simm.s32 $_size__tile_overlayer_lowered;
	s9 =	simm.s32 $_tile_overlayer_lowered  }
0xa3: {  	s22 =	simm.s32 $0x1BFF;
	s21 =	sshll.u32 s9, $0x1;
	s6 =	sadd.s32 s19, s18  }
0xa4: {  	s10 =	simm.s32 $0x0;
	s20 =	sshll.u32 s8, $0x1;
	s8 =	sadd.s32 s21, s6  }
0xa5: {  	[timem:s10], [sflag:s22] =	dma.local [hbm:s8], s20  }
0xa6: {  	_ =	swait.ge [sflag:s22], s20  }
0xa7: {  	s7 =	ssub.s32 $0x0, s20;
	[sflag:s22] =	ssyncset.done $0x0  }
0xa8: {  	[sflag:s22] =	ssyncadd.s32 s7;
	_ =	sdelay $0x1  }
0xa9: {  	s23 =	simm.s32 $0x1B8B  }
0xaa: {  	_ =	swait.ge [sflag:s23], $0x1  }
0xab: {  	[sflag:s23] =	ssyncset.done $0x0  }
0xac: {  	s25 =	simm.s32 $0x1B8E;
	s24 =	sld [smem:$0x3FFE];
	[sflag:s23] =	ssyncadd.s32 $0xFFFFFFFF  }
0xad: {  	s26 =	simm.s32 $execute0_lowered;
	[smem:$0x3FD2] =	sst s25  }
0xae: {  	s8 =	sshll.u32 s26, $0x1;
	_ =	strace $0x80000046;
	[dreg:$0x1] =	wrdreg $0xFFFFFFFF  }
0xaf: {  	s28 =	simm.s32 $_size_execute0_lowered;
	s6 =	sadd.s32 s6, s8;
	[dreg:$0x0] =	wrdreg $0x0  }
0xb0: {  	s8 =	sshll.u32 s28, $0x1;
	[dreg:$0x2] =	wrdreg s6  }
0xb1: {  	[dreg:$0x3] =	wrdreg s8  }
0xb2: {  	[dreg:$0x4] =	wrdreg $0xC0  }
0xb3: {  	_ =	task [dreg:s10], $0x5FFFF  }
0xb4: {  	[dreg:$0x1] =	wrdreg $0xFFFFFFFF  }
0xb5: {  	[dreg:$0x0] =	wrdreg $0x60  }
0xb6: {  	[dreg:$0x2] =	wrdreg s5  }
0xb7: {  	[dreg:$0x3] =	wrdreg s4  }
0xb8: {  	[dreg:$0x4] =	wrdreg s15  }
0xb9: {  	[dreg:$0x5] =	wrdreg s24  }
0xba: {  	[dreg:$0x6] =	wrdreg s16  }
0xbb: {  	[dreg:$0x7] =	wrdreg $0x9  }
0xbc: {  	_ =	task.clear_ibuf [dreg:s10], $0x8FFFF;
	_ =	strace $0x90000046  }
0xbd: {  	s29 =	simm.s32 $0x9;
	_ =	strace $0x80000048  }
0xbe: {  	_ =	swait.ge [sflag:s29], $0x1  }
0xbf: {  	[sflag:s29] =	ssyncadd.s32 $0xFFFFFFFF  }
0xc0: {  	_ =	strace $0x90000048  }
0xc1: {  	_ =	sfence  }
0xc2: {  	s30 =	sld [smem:$0x0];
	_ =	sdelay $0x2  }
0xc3: {  	s31 =	sshll.u32 s1, $0xD;
	s1 =	sshrl.u32 s1, $0x2  }
0xc4: {  	s3 =	sand.u32 $0x4000, s31;
	s1 =	sadd.s32 s1, s30  }
0xc5: {  	s0 =	sor.u32 s3, s0;
	s1 =	sshll.u32 s1, $0x11  }
0xc6: {  	s0 =	sor.u32 s1, s0  }
0xc7: {  	s0 =	sadd.s32 $0x8F2B, s0  }
0xc8: {  	[sflag:s0] =	ssyncadd.remote.s32 $0x1  }
0xc9: {  	_ =	sfence.sel $0xFFFF  }
0xca: {  	[dreg:$0x0] =	wrdreg $0xFFFFFFFF;
	(pc) =	sbr.abs _section_cstart, $3  }
0xcb: {  	[dreg:$0x1] =	wrdreg $0xFFFFFFFF  }
0xcc: {  	_ =	task.clear_ibuf [dreg:s10], $0x2FFFF;
	_ =	strace $0x9FFFFFFF  }
0xcd: {  	(tm) =	ssettm $0x7FFFFFFF  }
tec
execute0_lowered:
.L_overlay_start_1:
0x0: {  	(tag) =	ssettag $0x1  }
0x1: {  	s1 =	rddreg [dreg:$0x0]  }
0x2: {  	s5 =	rddreg [dreg:$0x1]  }
0x3: {  	s6 =	rddreg [dreg:$0x2]  }
0x4: {  	s7 =	rddreg [dreg:$0x3]  }
0x5: {  	s3 =	rddreg [dreg:$0x4]  }
0x6: {  	s0 =	rddreg [dreg:$0x5]  }
0x7: {  	s4 =	simm.s32 $0x0;
	s8 =	srdreg.scid;
	s2 =	stileid.u32  }
0x8: {  	s14 =	simm.s32 $0x1;
	s15 =	simm.s32 $0xC080;
	s16 =	simm.s32 $0x0  }
0x9: {  	[smem:$0x7FF] =	sst s4;
	s8 =	sand.u32 $0x1, s8;
	s9 =	sshll.u32 s2, $0x1  }
0xa: {  	_ =	strace $0x80000047;
	s9 =	sor.u32 s8, s9;
	s8 =	ssub.s32 $0x2, s8  }
0xb: {  	s10 =	sshll.u32 s9, $0xB;
	s9 =	sshll.u32 s9, $0x4;
	s11 =	sshrl.u32 s8, $0x1  }
0xc: {  	s12 =	sadd.s32 s10, s7;
	s13 =	sadd.s32 s9, s7;
	s11 =	ssub.s32 s8, s11  }
0xd: {  	s5 =	sadd.s32 s5, s9;
	s6 =	sadd.s32 s6, s10;
	s10 =	simm.s32 $0x2  }
0xe: {  	s7 =	sadd.s32 $0xA00, s12;
	s8 =	sadd.s32 $0x10A00, s13;
	s9 =	smax.u32 s11, $0x1  }
0xf: {  	s11 =	simm.s32 $0x80;
	s12 =	simm.s32 $0x4080;
	s13 =	simm.s32 $0x8080  }
.LBB2_1:
0x10: {  	[tilespmem:s4], [sflag:$0x2] =	stream.linear.gather [hbm4b:s5+s4], $0x80, $0x38;
	[tilespmem:$0xC100] =	vst v63  }
0x11: {  	_ =	swait.ge [sflag:s10], $0x80  }
0x12: {  	[sflag:s10] =	ssyncset.done $0x0  }
0x13: {  	[sflag:s10] =	ssyncadd.s32 $0xFFFFFF80  }
0x14: {  	[tilespmem:s11], [sflag:$0x1] =	stream.indirect.gather [hbm4b:s1+s11], $0x80, s4, s11, $0xb8;
	[tilespmem:$0xC100] =	vst v63  }
0x15: {  	_ = 	snop  }
0x16: {  	[tilespmem:s12], [sflag:$0x2] =	stream.linear.gather [hbm4b:s6+s4], $0x4000, $0x38;
	[tilespmem:$0xC100] =	vst v63  }
0x17: {  	_ =	swait.ge [sflag:s10], $0x4000  }
0x18: {  	[sflag:s10] =	ssyncset.done $0x0  }
0x19: {  	[sflag:s10] =	ssyncadd.s32 $0xFFFFC000  }
0x1a: {  	[tilespmem:s13], [sflag:$0x2] =	stream.linear.gather [hbm4b:s7+s4], $0x4000, $0x38;
	[tilespmem:$0xC100] =	vst v63  }
0x1b: {  	_ =	swait.ge [sflag:s10], $0x4000  }
0x1c: {  	[sflag:s10] =	ssyncset.done $0x0  }
0x1d: {  	[sflag:s10] =	ssyncadd.s32 $0xFFFFC000  }
0x1e: {  	_ =	swait.ge [sflag:s14], $0x4000  }
0x1f: {  	[sflag:s14] =	ssyncset.done $0x0  }
0x20: {  	s17 =	simm.s32 $0x0;
	[sflag:s14] =	ssyncadd.s32 $0xFFFFC000  }
0x21: {  	v0 =	vld [tilespmem:s17+$0xF0]  }
0x22: {  	v1 =	vld [tilespmem:s17+$0x40F0]  }
0x23: {  	v3 =	vld [tilespmem:s17+$0xE0]  }
0x24: {  	v4 =	vld [tilespmem:s17+$0x40E0]  }
0x25: {  	v2 =	vld [tilespmem:s17+$0xD0]  }
0x26: {  	v5 =	vld [tilespmem:s17+$0xC0]  }
0x27: {  	v6 =	vld [tilespmem:s17+$0xB0]  }
0x28: {  	v8 =	vld [tilespmem:s17+$0x90]  }
0x29: {  	v7 =	vimm.f32 $0.0e+00;
	s18 =	simm.s32 $0x200;
	v9 =	vld [tilespmem:s17+$0x80]  }
.LBB2_2:
0x2a: {  	p0 =	sne.s32 s18, $0xFE00;
	v10 =	vld [tilespmem:s17+$0x4080]  }
0x2b: {  	v11 =	vld [tilespmem:s17+$0xA0]  }
0x2c: {  	v12 =	vld [tilespmem:s17+$0x4090]  }
0x2d: {  	v13 =	vld [tilespmem:s17+$0x40D0]  }
0x2e: {  	v14 =	vld [tilespmem:s17+$0x40A0]  }
0x2f: {  	v15 =	vmul.f32 $5.000000000e-01, v8;
	v10 =	vsub.f32 v10, v9;
	v9 =	vmul.f32 $5.000000000e-01, v9;
	v16 =	vld [tilespmem:s17+$0x40C0]  }
0x30: {  	v19 =	vmul.f32 $5.000000000e-01, v6;
	v17 =	vmul.f32 $5.000000000e-01, v11;
	v18 =	vld [tilespmem:s17+$0x40B0]  }
0x31: {  	v20 =	vld [tilespmem:s17+$0x8080];
	v10 =	vmul.f32 v10, v10;
	v8 =	vsub.f32 v12, v8;
	v12 =	vmul.f32 $5.000000000e-01, v5  }
0x32: {  	v22 =	vmul.f32 $5.000000000e-01, v2;
	v23 =	vmul.f32 $5.000000000e-01, v3;
	v21 =	vld [tilespmem:s17+$0x8090]  }
0x33: {  	v7 =	vadd.f32 v10, v7;
	v8 =	vmul.f32 v8, v8;
	v10 =	vld [tilespmem:s17+$0x80A0];
	v11 =	vsub.f32 v14, v11  }
0x34: {  	v24 =	vsub.f32 v4, v3;
	v25 =	vsub.f32 v1, v0;
	v26 =	vmul.f32 $5.000000000e-01, v0;
	v14 =	vld [tilespmem:s17+$0x80B0]  }
0x35: {  	v0 =	vadd.f32 v8, v7;
	v1 =	vmul.f32 v11, v11;
	v3 =	vsub.f32 v18, v6;
	v4 =	vld [tilespmem:s17+$0x80C0]  }
0x36: {  	v2 =	vsub.f32 v13, v2;
	v5 =	vsub.f32 v16, v5;
	v6 =	vmul.f32 $5.000000000e-01, v20;
	v7 =	vld [tilespmem:s17+$0x80D0]  }
0x37: {  	v8 =	vmul.f32 $5.000000000e-01, v21;
	v1 =	vadd.f32 v1, v0;
	v3 =	vmul.f32 v3, v3;
	v11 =	vld [tilespmem:s17+$0x80E0]  }
0x38: {  	s19 =	sshra.s32 s18, $0x2;
	v5 =	vmul.f32 v5, v5;
	v6 =	vadd.f32 v6, v9;
	v9 =	vmul.f32 $5.000000000e-01, v10;
	v10 =	vld [tilespmem:s17+$0x80F0]  }
0x39: {  	v0 =	vld [tilespmem:s19+$0xF0];
	v8 =	vadd.f32 v8, v15;
	v13 =	vadd.f32 v3, v1;
	v14 =	vmul.f32 $5.000000000e-01, v14  }
0x3a: {  	v15 =	vmul.f32 v2, v2;
	v1 =	vld [tilespmem:s19+$0x40F0];
	[tilespmem:s17+$0x8080] =	vst v6;
	v6 =	vadd.f32 v9, v17;
	v9 =	vmul.f32 $5.000000000e-01, v4  }
0x3b: {  	v3 =	vld [tilespmem:s19+$0xE0];
	[tilespmem:s17+$0x8090] =	vst v8;
	v8 =	vadd.f32 v14, v19;
	v5 =	vadd.f32 v5, v13;
	v7 =	vmul.f32 $5.000000000e-01, v7  }
0x3c: {  	v4 =	vld [tilespmem:s19+$0x40E0];
	[tilespmem:s17+$0x80A0] =	vst v6;
	v6 =	vadd.f32 v9, v12;
	v9 =	vmul.f32 v24, v24;
	v11 =	vmul.f32 $5.000000000e-01, v11  }
.Ltmp0:
0x3d: {  	v2 =	vld [tilespmem:s19+$0xD0];
	[tilespmem:s17+$0x80B0] =	vst v8;
	v8 =	vadd.f32 v15, v5;
	v7 =	vadd.f32 v7, v22;
	v10 =	vmul.f32 $5.000000000e-01, v10;
	(pc) =	sbr.rel @p0 .LBB2_2-.Ltmp0, $4  }
0x3e: {  	v5 =	vld [tilespmem:s19+$0xC0];
	[tilespmem:s17+$0x80C0] =	vst v6;
	v11 =	vadd.f32 v11, v23  }
0x3f: {  	v12 =	vmul.f32 v25, v25;
	v6 =	vld [tilespmem:s19+$0xB0];
	[tilespmem:s17+$0x80D0] =	vst v7;
	v7 =	vadd.f32 v9, v8;
	v10 =	vadd.f32 v10, v26  }
0x40: {  	v8 =	vld [tilespmem:s19+$0x90];
	[tilespmem:s17+$0x80E0] =	vst v11  }
0x41: {  	s18 =	sadd.s32 $0x200, s18;
	v9 =	vld [tilespmem:s19+$0x80];
	v7 =	vadd.f32 v12, v7;
	[tilespmem:s17+$0x80F0] =	vst v10;
	s17 =	smov.u32 s19  }
0x42: {  	v10 =	vld [tilespmem:s17+$0x4080];
	_ =	sdelay $0x1  }
0x43: {  	v11 =	vld [tilespmem:s17+$0x4090]  }
0x44: {  	v12 =	vld [tilespmem:s17+$0xA0]  }
0x45: {  	v13 =	vld [tilespmem:s17+$0x40A0]  }
0x46: {  	v10 =	vsub.f32 v10, v9  }
0x47: {  	v14 =	vld [tilespmem:s17+$0x40B0]  }
0x48: {  	v15 =	vld [tilespmem:s17+$0x40D0];
	v42 =	vmul.f32 $5.000000000e-01, v2;
	v11 =	vsub.f32 v11, v8;
	v10 =	vmul.f32 v10, v10  }
0x49: {  	v16 =	vld [tilespmem:s17+$0x40C0];
	v44 =	vmul.f32 $5.000000000e-01, v3;
	v61 =	vmul.f32 $5.000000000e-01, v0  }
0x4a: {  	v17 =	vld [tilespmem:s17+$0x8080];
	v37 =	vsub.f32 v13, v12;
	v36 =	vmul.f32 v11, v11;
	v7 =	vadd.f32 v10, v7  }
0x4b: {  	v18 =	vld [tilespmem:s17+$0x8090];
	v41 =	vmul.f32 $5.000000000e-01, v5;
	v38 =	vmul.f32 $5.000000000e-01, v6  }
0x4c: {  	v19 =	vld [tilespmem:s17+$0x80A0];
	v40 =	vsub.f32 v14, v6;
	v39 =	vmul.f32 v37, v37;
	v7 =	vadd.f32 v36, v7  }
0x4d: {  	v35 =	vmul.f32 $5.000000000e-01, v8;
	v34 =	vmul.f32 $5.000000000e-01, v9  }
0x4e: {  	v20 =	vld [tilespmem:s17+$0x80B0];
	v43 =	vsub.f32 v16, v5;
	v6 =	vmul.f32 v40, v40;
	v7 =	vadd.f32 v39, v7  }
0x4f: {  	v21 =	vld [tilespmem:s17+$0x80C0];
	v45 =	vsub.f32 v4, v3;
	v12 =	vmul.f32 $5.000000000e-01, v12;
	v46 =	vmul.f32 $5.000000000e-01, v17  }
0x50: {  	v47 =	vld [tilespmem:s17+$0x80D0];
	v48 =	vsub.f32 v15, v2;
	v5 =	vmul.f32 v43, v43;
	v6 =	vadd.f32 v6, v7  }
0x51: {  	v1 =	vsub.f32 v1, v0;
	v52 =	vld [tilespmem:s17+$0x80F0];
	v49 =	vmul.f32 $5.000000000e-01, v18;
	v51 =	vmul.f32 $5.000000000e-01, v19  }
0x52: {  	v50 =	vld [tilespmem:s17+$0x80E0];
	v4 =	vadd.f32 v46, v34;
	v2 =	vmul.f32 v48, v48;
	v5 =	vadd.f32 v5, v6  }
0x53: {  	v3 =	vmul.f32 v45, v45;
	v54 =	vmul.f32 $5.000000000e-01, v20;
	v53 =	vadd.f32 v49, v35  }
0x54: {  	v55 =	vmul.f32 $5.000000000e-01, v21;
	v56 =	vadd.f32 v51, v12;
	[tilespmem:s17+$0x8080] =	vst v4;
	v2 =	vadd.f32 v2, v5  }
0x55: {  	v1 =	vmul.f32 v1, v1;
	v58 =	vmul.f32 $5.000000000e-01, v47;
	v57 =	vadd.f32 v54, v38;
	[tilespmem:s17+$0x8090] =	vst v53  }
0x56: {  	v63 =	vmul.f32 $5.000000000e-01, v52;
	v59 =	vadd.f32 v55, v41;
	[tilespmem:s17+$0x80A0] =	vst v56;
	v2 =	vadd.f32 v3, v2  }
0x57: {  	v60 =	vmul.f32 $5.000000000e-01, v50;
	v62 =	vadd.f32 v58, v42;
	[tilespmem:s17+$0x80B0] =	vst v57  }
0x58: {  	v0 =	vadd.f32 v63, v61;
	[tilespmem:s17+$0x80C0] =	vst v59;
	v1 =	vadd.f32 v1, v2  }
0x59: {  	v4 =	vadd.f32 v60, v44;
	[tilespmem:s17+$0x80D0] =	vst v62  }
0x5a: {  	[tilespmem:s17+$0x80F0] =	vst v0;
	v1 =	vmul.f32 $1.220703130e-04, v1  }
0x5b: {  	[tilespmem:s17+$0x80E0] =	vst v4  }
0x5c: {  	[tilespmem:$0xC080] =	vst v1  }
0x5d: {  	[hbm4b:s8+s4] =	stream.linear.scatter [tilespmem:s15], [sflag:$0x2], $0x80, $0x38;
	[tilespmem:$0xC100] =	vst v63  }
0x5e: {  	s16 =	sadd.s32 $0x1, s16;
	_ =	swait.ge [sflag:s10], $0x80  }
0x5f: {  	p0 =	sne.s32 s16, s9;
	[sflag:s10] =	ssyncset.done $0x0  }
.Ltmp1:
0x60: {  	[sflag:s10] =	ssyncadd.s32 $0xFFFFFF80;
	(pc) =	sbr.rel @p0 .LBB2_1-.Ltmp1, $4  }
0x61: {  	[hbm4b:s3+s11] =	stream.indirect.scatter [tilespmem:s13], [sflag:$0x2], $0x80, s4, s11, $0xb8;
	[tilespmem:$0xC100] =	vst v63  }
0x62: {  	_ =	swait.ge [sflag:s10], $0x4000  }
0x63: {  	[sflag:s10] =	ssyncset.done $0x0  }
0x64: {  	[sflag:s10] =	ssyncadd.s32 $0xFFFFC000  }
0x65: {  	_ =	sfence.sel $0x180000  }
0x66: {  	[bflag:$0x0] =	sbarrier.arrive $0xFFFF  }
0x67: {  	p0 =	sne.s32 s2, $0x0;
	_ =	strace $0x90000047  }
0x68: {  	s0 =	sadd.s32 @!p0 $0x100000, s0;
	[bflag:$0x2] =	sbarrier.arrive $0xFFFF  }
0x69: {  	[sflag:s0] =	ssyncadd.tile.s32 @!p0 $0x1;
	_ =	shalt  }
.Lfunc_end2:
_tile_overlayer_lowered:
.L_overlay_start_2:
0x6a: {  	(tag) =	ssettag $0x2  }
0x6b: {  	s0 =	rddreg [dreg:$0x0];
	s2 =	stileid.u32  }
0x6c: {  	s1 =	rddreg [dreg:$0x1];
	p0 =	sne.s32 s2, $0x0  }
0x6d: {  	s3 =	rddreg [dreg:$0x2];
	[bflag:$0x3] =	sbarrier.arrive $0xFFFF;
	s2 =	simm.s32 @!p0 $0x1C02  }
0x6e: {  	[timem:s3], [sflag:s2] =	dma.local @!p0 [hbm:s0], s1  }
0x6f: {  	s0 =	simm.s32 @!p0 $0x2  }
0x70: {  	_ =	swait.ge @!p0 [sflag:s0], s1  }
0x71: {  	s1 =	ssub.s32 @!p0 $0x0, s1;
	[sflag:s0] =	ssyncset.done @!p0 $0x0  }
0x72: {  	[sflag:s0] =	ssyncadd.s32 @!p0 s1  }
0x73: {  	[bflag:$0x3] =	sbarrier.arrive $0xFFFF  }
0x74: {  	_ =	shalt  }

</sc_bundles>
